<compile_context>
chip_gen: v7x
topology: tpu7x:2x2x1
jax: 0.10.2.dev20260603
libtpu: 0.0.44.dev20260713+nightly
codegen_flags: <defaults>
</compile_context>

<pallas_src>
import functools

import jax
import jax.numpy as jnp
from jax import lax
from jax.experimental import pallas as pl
from jax.experimental.pallas import tpu as pltpu
from jax.experimental.pallas import tpu_sc as plsc

_B, _S = 4, 8192
_V, _D = 1024, 128
_TOT = _B * _S

_info = plsc.get_sparse_core_info()
_NC, _NS = _info.num_cores, _info.num_subcores
_NW = _NC * _NS
_BPW = _TOT // _NW
_CH = 128
_NCHUNK = _BPW // _CH


def _pos_body(ids_ref, pos_ref):
    ids = ids_ref[...]
    dm_b = (ids == 1) | ((ids >= 17) & (ids <= 26))
    om = dm_b | (ids == 12) | (ids == 30)
    dm = dm_b.astype(jnp.int32)
    idx = lax.broadcasted_iota(jnp.int32, ids.shape, 1)
    prev = jnp.concatenate(
        [jnp.zeros((ids.shape[0], 1), jnp.int32), dm[:, :-1]], axis=1)
    starts = dm * (1 - prev)
    v = idx * starts
    k = 1
    while k < ids.shape[1]:
        shifted = jnp.concatenate(
            [jnp.zeros((ids.shape[0], k), jnp.int32), v[:, :-k]], axis=1)
        v = jnp.maximum(v, shifted)
        k *= 2
    pos = (idx - v + 1) * om.astype(jnp.int32)
    pos_ref[...] = jnp.clip(pos, 0, _V - 1)


_positions = pl.pallas_call(
    _pos_body,
    out_shape=jax.ShapeDtypeStruct((_B, _S), jnp.int32),
)


def _gather_body(table_hbm, idx_hbm, out_hbm, idx_v, buf0, buf1, buf2,
                 stable, isem, wsem, gsem):
    s = lax.axis_index("s")
    wid = s * _NC + lax.axis_index("c")
    base = wid * _BPW

    icopy = pltpu.async_copy(idx_hbm.at[wid], idx_v, isem)

    @pl.when(s == 0)
    def _():
        pltpu.sync_copy(table_hbm, stable)

    plsc.subcore_barrier()
    icopy.wait()

    bufs = (buf0, buf1, buf2)
    wcopies = [None] * _NCHUNK
    gcopies = [None] * _NCHUNK
    for c in range(2):
        gcopies[c] = pltpu.async_copy(
            stable.at[idx_v.at[c]], bufs[c % 3], gsem)
    for c in range(_NCHUNK):
        gcopies[c].wait()
        wcopies[c] = pltpu.async_copy(
            bufs[c % 3], out_hbm.at[pl.ds(base + c * _CH, _CH)], wsem)
        if c + 2 < _NCHUNK:
            if c >= 1:
                wcopies[c - 1].wait()
            gcopies[c + 2] = pltpu.async_copy(
                stable.at[idx_v.at[c + 2]], bufs[(c + 2) % 3], gsem)
    wcopies[_NCHUNK - 2].wait()
    wcopies[_NCHUNK - 1].wait()


_gather = functools.partial(
    pl.kernel,
    mesh=plsc.VectorSubcoreMesh(core_axis_name="c", subcore_axis_name="s"),
    out_type=jax.ShapeDtypeStruct((_TOT, _D), jnp.float32),
    scratch_types=[
        pltpu.VMEM((_NCHUNK, _CH), jnp.int32),
        pltpu.VMEM((_CH, _D), jnp.float32),
        pltpu.VMEM((_CH, _D), jnp.float32),
        pltpu.VMEM((_CH, _D), jnp.float32),
        pltpu.VMEM_SHARED((_V, _D), jnp.float32),
        pltpu.SemaphoreType.DMA,
        pltpu.SemaphoreType.DMA,
        pltpu.SemaphoreType.DMA,
    ],
    compiler_params=pltpu.CompilerParams(use_tc_tiling_on_sc=False),
)(_gather_body)


def kernel(input_ids, embedding):
    pos = _positions(input_ids)
    pos = pos.reshape(_NW, _NCHUNK, _CH)
    out = _gather(embedding, pos)
    return out.reshape(_B, _S, _D)

# --- scband reference (transcript-rebuilt; emitter-appended) ---
"""Pipeline reference for scband-position-coupling-12266426597775 (READ-ONLY COPY).

The authoritative reference and input builder live on the scoring server;
editing this copy changes nothing except your own understanding.
"""

import jax, jax.numpy as jnp
import numpy as np

DIGIT_TOKENS = [1, 17, 18, 19, 20, 21, 22, 23, 24, 25, 26]
SPECIAL_TOKENS = [12, 30]
MAX_SEQ_LENGTH = 1024
EMBED_DIM = 128


def setup_inputs(seed: int = 0) -> dict:
    key = jax.random.key(seed)
    k1, k2 = jax.random.split(key)
    input_ids = jax.random.randint(k1, (4, 8192), 0, 32, dtype=jnp.int32)
    embedding = jax.random.normal(k2, (MAX_SEQ_LENGTH, EMBED_DIM), dtype=jnp.float32)
    return {"input_ids": input_ids, "embedding": embedding}


def _helper(mask, mask2):
    # Convert a binary mask of digit locations into counts of consecutive digits.
    B, S = mask.shape
    shifted_mask = jnp.concatenate([jnp.zeros((B, 1), dtype=mask.dtype), mask[:, :-1]], axis=1)
    starts = (shifted_mask != mask) & mask
    segment_ids = jnp.cumsum(starts.astype(jnp.int32), axis=1)
    index = jnp.broadcast_to(jnp.arange(S, dtype=jnp.int32), (B, S))
    second_term = index * starts.astype(jnp.int32)
    # per-row scatter-add: reset_index[b, segment_ids[b, i]] += second_term[b, i]
    def row_scatter(seg, vals):
        return jnp.zeros((S,), dtype=jnp.int32).at[seg].add(vals)
    reset_index = jax.vmap(row_scatter)(segment_ids, second_term)
    gathered = jnp.take_along_axis(reset_index, segment_ids, axis=1)
    positions = index - gathered + 1
    result = positions * mask2.astype(jnp.int32)
    return result


def reference(input_ids, embedding):
    digits = jnp.array(DIGIT_TOKENS, dtype=input_ids.dtype)
    special = jnp.array(SPECIAL_TOKENS, dtype=input_ids.dtype)
    digit_mask = jnp.isin(input_ids, digits)
    union_tokens = jnp.concatenate([digits, special])
    operand_mask = jnp.isin(input_ids, union_tokens)
    positions = _helper(digit_mask, operand_mask)
    k = 0  # eval mode: no random shift
    positions = positions + (positions > 0).astype(positions.dtype) * k
    return jnp.take(embedding, positions, axis=0)

if __name__ == "__main__":
    import jax
    _d = setup_inputs()
    print(jax.jit(kernel)(*tuple(_d.values())))

</pallas_src>

<mosaic_0001>
#map = affine_map<(d0, d1) -> (0, 0)>
#map1 = affine_map<(d0, d1) -> (0, 0, 0)>
module attributes {stable_mosaic.version = 14 : i64} {
  func.func @_gather_body(%arg0: i32, %arg1: i32, %arg2: memref<1024x128xf32, #tpu.memory_space<hbm>>, %arg3: memref<32x8x128xi32, #tpu.memory_space<hbm>>, %arg4: memref<32768x128xf32, #tpu.memory_space<hbm>>, %arg5: memref<8x128xi32, #tpu.memory_space<vmem>>, %arg6: memref<128x128xf32, #tpu.memory_space<vmem>>, %arg7: memref<128x128xf32, #tpu.memory_space<vmem>>, %arg8: memref<128x128xf32, #tpu.memory_space<vmem>>, %arg9: memref<1024x128xf32, #tpu.memory_space<vmem_shared>>, %arg10: memref<!tpu.dma_semaphore, #tpu.memory_space<semaphore_mem>>, %arg11: memref<!tpu.dma_semaphore, #tpu.memory_space<semaphore_mem>>, %arg12: memref<!tpu.dma_semaphore, #tpu.memory_space<semaphore_mem>>) attributes {dimension_semantics = [#tpu.dimension_semantics<core_parallel>, #tpu.dimension_semantics<subcore_parallel>], iteration_bounds = array<i64: 2, 16>, scalar_prefetch = 0 : i64, scratch_operands = 8 : i64, tpu.core_type = #tpu.core_type<sc_vector_subcore>, window_params = [{transform_indices = #map}, {transform_indices = #map1}, {transform_indices = #map}]} {
    %mul3A = arith.constant 2 : i32
    %mul3A_0 = arith.muli %arg1, %mul3A : i32
    %add3A = arith.addi %mul3A_0, %arg0 : i32
    %mul3A_1 = arith.constant 1024 : i32
    %mul3A_2 = arith.muli %add3A, %mul3A_1 : i32
    %dma_start3A = arith.constant 0 : i32
    %dma_start3A_3 = arith.constant 0 : i32
    %dma_start3A_4 = tpu.memref_slice %arg3[%add3A, %dma_start3A, %dma_start3A_3] : memref<32x8x128xi32, #tpu.memory_space<hbm>> -> memref<1x8x128xi32, #tpu.memory_space<hbm>>
    %dma_start3A_5 = tpu.memref_squeeze %dma_start3A_4 : memref<1x8x128xi32, #tpu.memory_space<hbm>> -> memref<8x128xi32, #tpu.memory_space<hbm>>
    %dma_start3A_6 = arith.constant 0 : i32
    %dma_start3A_7 = arith.constant 0 : i32
    %dma_start3A_8 = tpu.memref_slice %arg3[%add3A, %dma_start3A_6, %dma_start3A_7] : memref<32x8x128xi32, #tpu.memory_space<hbm>> -> memref<1x8x128xi32, #tpu.memory_space<hbm>>
    %dma_start3A_9 = tpu.memref_squeeze %dma_start3A_8 : memref<1x8x128xi32, #tpu.memory_space<hbm>> -> memref<8x128xi32, #tpu.memory_space<hbm>>
    tpu.enqueue_dma source(%dma_start3A_9 : memref<8x128xi32, #tpu.memory_space<hbm>>) target(%arg5 : memref<8x128xi32, #tpu.memory_space<vmem>>) target_semaphore(%arg10 : memref<!tpu.dma_semaphore, #tpu.memory_space<semaphore_mem>>)
    %eq3A = arith.constant 0 : i32
    %eq3A_10 = arith.cmpi eq, %arg1, %eq3A : i32
    %convert_element_type3A = arith.extui %eq3A_10 : i1 to i32
    %cond3A = arith.constant 0 : i32
    %cond3A_11 = arith.cmpi ne, %convert_element_type3A, %cond3A : i32
    scf.if %cond3A_11 {
      "tpu.region"() ({
        %run_scoped3A = tpu.sem_alloc : memref<!tpu.dma_semaphore, #tpu.memory_space<semaphore_mem>>
        tpu.enqueue_dma source(%arg2 : memref<1024x128xf32, #tpu.memory_space<hbm>>) target(%arg9 : memref<1024x128xf32, #tpu.memory_space<vmem_shared>>) target_semaphore(%run_scoped3A : memref<!tpu.dma_semaphore, #tpu.memory_space<semaphore_mem>>)
        tpu.wait_dma2 semaphore(%run_scoped3A : memref<!tpu.dma_semaphore, #tpu.memory_space<semaphore_mem>>) src(%arg2 : memref<1024x128xf32, #tpu.memory_space<hbm>>) dst(%arg9 : memref<1024x128xf32, #tpu.memory_space<vmem_shared>>)
        tpu.yield
      }) : () -> ()
    } else {
    }
    %barrier3A = arith.constant 0 : index
    tpu.barrier barrier_id(%barrier3A)
    %dma_wait3A = arith.constant 0 : i32
    %dma_wait3A_12 = arith.constant 0 : i32
    %dma_wait3A_13 = tpu.memref_slice %arg3[%add3A, %dma_wait3A, %dma_wait3A_12] : memref<32x8x128xi32, #tpu.memory_space<hbm>> -> memref<1x8x128xi32, #tpu.memory_space<hbm>>
    %dma_wait3A_14 = tpu.memref_squeeze %dma_wait3A_13 : memref<1x8x128xi32, #tpu.memory_space<hbm>> -> memref<8x128xi32, #tpu.memory_space<hbm>>
    %dma_wait3A_15 = arith.constant 0 : i32
    %dma_wait3A_16 = arith.constant 0 : i32
    %dma_wait3A_17 = tpu.memref_slice %arg3[%add3A, %dma_wait3A_15, %dma_wait3A_16] : memref<32x8x128xi32, #tpu.memory_space<hbm>> -> memref<1x8x128xi32, #tpu.memory_space<hbm>>
    %dma_wait3A_18 = tpu.memref_squeeze %dma_wait3A_17 : memref<1x8x128xi32, #tpu.memory_space<hbm>> -> memref<8x128xi32, #tpu.memory_space<hbm>>
    tpu.wait_dma2 semaphore(%arg10 : memref<!tpu.dma_semaphore, #tpu.memory_space<semaphore_mem>>) src(%dma_wait3A_18 : memref<8x128xi32, #tpu.memory_space<hbm>>) dst(%arg5 : memref<8x128xi32, #tpu.memory_space<vmem>>)
    %dma_start3A_19 = arith.constant 0 : i32
    %dma_start3A_20 = arith.constant 0 : i32
    %dma_start3A_21 = tpu.memref_slice %arg5[%dma_start3A_19, %dma_start3A_20] : memref<8x128xi32, #tpu.memory_space<vmem>> -> memref<1x128xi32, #tpu.memory_space<vmem>>
    %dma_start3A_22 = tpu.memref_squeeze %dma_start3A_21 : memref<1x128xi32, #tpu.memory_space<vmem>> -> memref<128xi32, #tpu.memory_space<vmem>>
    %dma_start3A_23 = arith.constant 0 : i32
    %dma_start3A_24 = arith.constant 0 : i32
    %dma_start3A_25 = tpu.memref_slice %arg9[%dma_start3A_23, %dma_start3A_24] : memref<1024x128xf32, #tpu.memory_space<vmem_shared>> -> memref<1024x128xf32, #tpu.memory_space<vmem_shared>>
    tpu.enqueue_indirect_dma source(%dma_start3A_25 : memref<1024x128xf32, #tpu.memory_space<vmem_shared>>) target(%arg6 : memref<128x128xf32, #tpu.memory_space<vmem>>) offsets(%dma_start3A_22 : memref<128xi32, #tpu.memory_space<vmem>>) semaphore(%arg12 : memref<!tpu.dma_semaphore, #tpu.memory_space<semaphore_mem>>)
    %dma_start3A_26 = arith.constant 1 : i32
    %dma_start3A_27 = arith.constant 0 : i32
    %dma_start3A_28 = tpu.memref_slice %arg5[%dma_start3A_26, %dma_start3A_27] : memref<8x128xi32, #tpu.memory_space<vmem>> -> memref<1x128xi32, #tpu.memory_space<vmem>>
    %dma_start3A_29 = tpu.memref_squeeze %dma_start3A_28 : memref<1x128xi32, #tpu.memory_space<vmem>> -> memref<128xi32, #tpu.memory_space<vmem>>
    %dma_start3A_30 = arith.constant 0 : i32
    %dma_start3A_31 = arith.constant 0 : i32
    %dma_start3A_32 = tpu.memref_slice %arg9[%dma_start3A_30, %dma_start3A_31] : memref<1024x128xf32, #tpu.memory_space<vmem_shared>> -> memref<1024x128xf32, #tpu.memory_space<vmem_shared>>
    tpu.enqueue_indirect_dma source(%dma_start3A_32 : memref<1024x128xf32, #tpu.memory_space<vmem_shared>>) target(%arg7 : memref<128x128xf32, #tpu.memory_space<vmem>>) offsets(%dma_start3A_29 : memref<128xi32, #tpu.memory_space<vmem>>) semaphore(%arg12 : memref<!tpu.dma_semaphore, #tpu.memory_space<semaphore_mem>>)
    %dma_wait3A_33 = arith.constant 0 : i32
    %dma_wait3A_34 = arith.constant 0 : i32
    %dma_wait3A_35 = tpu.memref_slice %arg5[%dma_wait3A_33, %dma_wait3A_34] : memref<8x128xi32, #tpu.memory_space<vmem>> -> memref<1x128xi32, #tpu.memory_space<vmem>>
    %dma_wait3A_36 = tpu.memref_squeeze %dma_wait3A_35 : memref<1x128xi32, #tpu.memory_space<vmem>> -> memref<128xi32, #tpu.memory_space<vmem>>
    %dma_wait3A_37 = arith.constant 0 : i32
    %dma_wait3A_38 = arith.constant 0 : i32
    %dma_wait3A_39 = tpu.memref_slice %arg9[%dma_wait3A_37, %dma_wait3A_38] : memref<1024x128xf32, #tpu.memory_space<vmem_shared>> -> memref<1024x128xf32, #tpu.memory_space<vmem_shared>>
    tpu.wait_indirect_dma semaphore(%arg12 : memref<!tpu.dma_semaphore, #tpu.memory_space<semaphore_mem>>) src(%dma_wait3A_39 : memref<1024x128xf32, #tpu.memory_space<vmem_shared>>) dst(%arg6 : memref<128x128xf32, #tpu.memory_space<vmem>>)
    %add3A_40 = arith.constant 0 : i32
    %add3A_41 = arith.addi %mul3A_2, %add3A_40 : i32
    %dma_start3A_42 = arith.constant 0 : i32
    %dma_start3A_43 = tpu.memref_slice %arg4[%add3A_41, %dma_start3A_42] : memref<32768x128xf32, #tpu.memory_space<hbm>> -> memref<128x128xf32, #tpu.memory_space<hbm>>
    %dma_start3A_44 = arith.constant 0 : i32
    %dma_start3A_45 = tpu.memref_slice %arg4[%add3A_41, %dma_start3A_44] : memref<32768x128xf32, #tpu.memory_space<hbm>> -> memref<128x128xf32, #tpu.memory_space<hbm>>
    tpu.enqueue_dma source(%arg6 : memref<128x128xf32, #tpu.memory_space<vmem>>) target(%dma_start3A_45 : memref<128x128xf32, #tpu.memory_space<hbm>>) target_semaphore(%arg11 : memref<!tpu.dma_semaphore, #tpu.memory_space<semaphore_mem>>)
    %dma_start3A_46 = arith.constant 2 : i32
    %dma_start3A_47 = arith.constant 0 : i32
    %dma_start3A_48 = tpu.memref_slice %arg5[%dma_start3A_46, %dma_start3A_47] : memref<8x128xi32, #tpu.memory_space<vmem>> -> memref<1x128xi32, #tpu.memory_space<vmem>>
    %dma_start3A_49 = tpu.memref_squeeze %dma_start3A_48 : memref<1x128xi32, #tpu.memory_space<vmem>> -> memref<128xi32, #tpu.memory_space<vmem>>
    %dma_start3A_50 = arith.constant 0 : i32
    %dma_start3A_51 = arith.constant 0 : i32
    %dma_start3A_52 = tpu.memref_slice %arg9[%dma_start3A_50, %dma_start3A_51] : memref<1024x128xf32, #tpu.memory_space<vmem_shared>> -> memref<1024x128xf32, #tpu.memory_space<vmem_shared>>
    tpu.enqueue_indirect_dma source(%dma_start3A_52 : memref<1024x128xf32, #tpu.memory_space<vmem_shared>>) target(%arg8 : memref<128x128xf32, #tpu.memory_space<vmem>>) offsets(%dma_start3A_49 : memref<128xi32, #tpu.memory_space<vmem>>) semaphore(%arg12 : memref<!tpu.dma_semaphore, #tpu.memory_space<semaphore_mem>>)
    %dma_wait3A_53 = arith.constant 1 : i32
    %dma_wait3A_54 = arith.constant 0 : i32
    %dma_wait3A_55 = tpu.memref_slice %arg5[%dma_wait3A_53, %dma_wait3A_54] : memref<8x128xi32, #tpu.memory_space<vmem>> -> memref<1x128xi32, #tpu.memory_space<vmem>>
    %dma_wait3A_56 = tpu.memref_squeeze %dma_wait3A_55 : memref<1x128xi32, #tpu.memory_space<vmem>> -> memref<128xi32, #tpu.memory_space<vmem>>
    %dma_wait3A_57 = arith.constant 0 : i32
    %dma_wait3A_58 = arith.constant 0 : i32
    %dma_wait3A_59 = tpu.memref_slice %arg9[%dma_wait3A_57, %dma_wait3A_58] : memref<1024x128xf32, #tpu.memory_space<vmem_shared>> -> memref<1024x128xf32, #tpu.memory_space<vmem_shared>>
    tpu.wait_indirect_dma semaphore(%arg12 : memref<!tpu.dma_semaphore, #tpu.memory_space<semaphore_mem>>) src(%dma_wait3A_59 : memref<1024x128xf32, #tpu.memory_space<vmem_shared>>) dst(%arg7 : memref<128x128xf32, #tpu.memory_space<vmem>>)
    %add3A_60 = arith.constant 128 : i32
    %add3A_61 = arith.addi %mul3A_2, %add3A_60 : i32
    %dma_start3A_62 = arith.constant 0 : i32
    %dma_start3A_63 = tpu.memref_slice %arg4[%add3A_61, %dma_start3A_62] : memref<32768x128xf32, #tpu.memory_space<hbm>> -> memref<128x128xf32, #tpu.memory_space<hbm>>
    %dma_start3A_64 = arith.constant 0 : i32
    %dma_start3A_65 = tpu.memref_slice %arg4[%add3A_61, %dma_start3A_64] : memref<32768x128xf32, #tpu.memory_space<hbm>> -> memref<128x128xf32, #tpu.memory_space<hbm>>
    tpu.enqueue_dma source(%arg7 : memref<128x128xf32, #tpu.memory_space<vmem>>) target(%dma_start3A_65 : memref<128x128xf32, #tpu.memory_space<hbm>>) target_semaphore(%arg11 : memref<!tpu.dma_semaphore, #tpu.memory_space<semaphore_mem>>)
    %dma_wait3A_66 = arith.constant 0 : i32
    %dma_wait3A_67 = tpu.memref_slice %arg4[%add3A_41, %dma_wait3A_66] : memref<32768x128xf32, #tpu.memory_space<hbm>> -> memref<128x128xf32, #tpu.memory_space<hbm>>
    %dma_wait3A_68 = arith.constant 0 : i32
    %dma_wait3A_69 = tpu.memref_slice %arg4[%add3A_41, %dma_wait3A_68] : memref<32768x128xf32, #tpu.memory_space<hbm>> -> memref<128x128xf32, #tpu.memory_space<hbm>>
    tpu.wait_dma2 semaphore(%arg11 : memref<!tpu.dma_semaphore, #tpu.memory_space<semaphore_mem>>) src(%arg6 : memref<128x128xf32, #tpu.memory_space<vmem>>) dst(%dma_wait3A_69 : memref<128x128xf32, #tpu.memory_space<hbm>>)
    %dma_start3A_70 = arith.constant 3 : i32
    %dma_start3A_71 = arith.constant 0 : i32
    %dma_start3A_72 = tpu.memref_slice %arg5[%dma_start3A_70, %dma_start3A_71] : memref<8x128xi32, #tpu.memory_space<vmem>> -> memref<1x128xi32, #tpu.memory_space<vmem>>
    %dma_start3A_73 = tpu.memref_squeeze %dma_start3A_72 : memref<1x128xi32, #tpu.memory_space<vmem>> -> memref<128xi32, #tpu.memory_space<vmem>>
    %dma_start3A_74 = arith.constant 0 : i32
    %dma_start3A_75 = arith.constant 0 : i32
    %dma_start3A_76 = tpu.memref_slice %arg9[%dma_start3A_74, %dma_start3A_75] : memref<1024x128xf32, #tpu.memory_space<vmem_shared>> -> memref<1024x128xf32, #tpu.memory_space<vmem_shared>>
    tpu.enqueue_indirect_dma source(%dma_start3A_76 : memref<1024x128xf32, #tpu.memory_space<vmem_shared>>) target(%arg6 : memref<128x128xf32, #tpu.memory_space<vmem>>) offsets(%dma_start3A_73 : memref<128xi32, #tpu.memory_space<vmem>>) semaphore(%arg12 : memref<!tpu.dma_semaphore, #tpu.memory_space<semaphore_mem>>)
    %dma_wait3A_77 = arith.constant 2 : i32
    %dma_wait3A_78 = arith.constant 0 : i32
    %dma_wait3A_79 = tpu.memref_slice %arg5[%dma_wait3A_77, %dma_wait3A_78] : memref<8x128xi32, #tpu.memory_space<vmem>> -> memref<1x128xi32, #tpu.memory_space<vmem>>
    %dma_wait3A_80 = tpu.memref_squeeze %dma_wait3A_79 : memref<1x128xi32, #tpu.memory_space<vmem>> -> memref<128xi32, #tpu.memory_space<vmem>>
    %dma_wait3A_81 = arith.constant 0 : i32
    %dma_wait3A_82 = arith.constant 0 : i32
    %dma_wait3A_83 = tpu.memref_slice %arg9[%dma_wait3A_81, %dma_wait3A_82] : memref<1024x128xf32, #tpu.memory_space<vmem_shared>> -> memref<1024x128xf32, #tpu.memory_space<vmem_shared>>
    tpu.wait_indirect_dma semaphore(%arg12 : memref<!tpu.dma_semaphore, #tpu.memory_space<semaphore_mem>>) src(%dma_wait3A_83 : memref<1024x128xf32, #tpu.memory_space<vmem_shared>>) dst(%arg8 : memref<128x128xf32, #tpu.memory_space<vmem>>)
    %add3A_84 = arith.constant 256 : i32
    %add3A_85 = arith.addi %mul3A_2, %add3A_84 : i32
    %dma_start3A_86 = arith.constant 0 : i32
    %dma_start3A_87 = tpu.memref_slice %arg4[%add3A_85, %dma_start3A_86] : memref<32768x128xf32, #tpu.memory_space<hbm>> -> memref<128x128xf32, #tpu.memory_space<hbm>>
    %dma_start3A_88 = arith.constant 0 : i32
    %dma_start3A_89 = tpu.memref_slice %arg4[%add3A_85, %dma_start3A_88] : memref<32768x128xf32, #tpu.memory_space<hbm>> -> memref<128x128xf32, #tpu.memory_space<hbm>>
    tpu.enqueue_dma source(%arg8 : memref<128x128xf32, #tpu.memory_space<vmem>>) target(%dma_start3A_89 : memref<128x128xf32, #tpu.memory_space<hbm>>) target_semaphore(%arg11 : memref<!tpu.dma_semaphore, #tpu.memory_space<semaphore_mem>>)
    %dma_wait3A_90 = arith.constant 0 : i32
    %dma_wait3A_91 = tpu.memref_slice %arg4[%add3A_61, %dma_wait3A_90] : memref<32768x128xf32, #tpu.memory_space<hbm>> -> memref<128x128xf32, #tpu.memory_space<hbm>>
    %dma_wait3A_92 = arith.constant 0 : i32
    %dma_wait3A_93 = tpu.memref_slice %arg4[%add3A_61, %dma_wait3A_92] : memref<32768x128xf32, #tpu.memory_space<hbm>> -> memref<128x128xf32, #tpu.memory_space<hbm>>
    tpu.wait_dma2 semaphore(%arg11 : memref<!tpu.dma_semaphore, #tpu.memory_space<semaphore_mem>>) src(%arg7 : memref<128x128xf32, #tpu.memory_space<vmem>>) dst(%dma_wait3A_93 : memref<128x128xf32, #tpu.memory_space<hbm>>)
    %dma_start3A_94 = arith.constant 4 : i32
    %dma_start3A_95 = arith.constant 0 : i32
    %dma_start3A_96 = tpu.memref_slice %arg5[%dma_start3A_94, %dma_start3A_95] : memref<8x128xi32, #tpu.memory_space<vmem>> -> memref<1x128xi32, #tpu.memory_space<vmem>>
    %dma_start3A_97 = tpu.memref_squeeze %dma_start3A_96 : memref<1x128xi32, #tpu.memory_space<vmem>> -> memref<128xi32, #tpu.memory_space<vmem>>
    %dma_start3A_98 = arith.constant 0 : i32
    %dma_start3A_99 = arith.constant 0 : i32
    %dma_start3A_100 = tpu.memref_slice %arg9[%dma_start3A_98, %dma_start3A_99] : memref<1024x128xf32, #tpu.memory_space<vmem_shared>> -> memref<1024x128xf32, #tpu.memory_space<vmem_shared>>
    tpu.enqueue_indirect_dma source(%dma_start3A_100 : memref<1024x128xf32, #tpu.memory_space<vmem_shared>>) target(%arg7 : memref<128x128xf32, #tpu.memory_space<vmem>>) offsets(%dma_start3A_97 : memref<128xi32, #tpu.memory_space<vmem>>) semaphore(%arg12 : memref<!tpu.dma_semaphore, #tpu.memory_space<semaphore_mem>>)
    %dma_wait3A_101 = arith.constant 3 : i32
    %dma_wait3A_102 = arith.constant 0 : i32
    %dma_wait3A_103 = tpu.memref_slice %arg5[%dma_wait3A_101, %dma_wait3A_102] : memref<8x128xi32, #tpu.memory_space<vmem>> -> memref<1x128xi32, #tpu.memory_space<vmem>>
    %dma_wait3A_104 = tpu.memref_squeeze %dma_wait3A_103 : memref<1x128xi32, #tpu.memory_space<vmem>> -> memref<128xi32, #tpu.memory_space<vmem>>
    %dma_wait3A_105 = arith.constant 0 : i32
    %dma_wait3A_106 = arith.constant 0 : i32
    %dma_wait3A_107 = tpu.memref_slice %arg9[%dma_wait3A_105, %dma_wait3A_106] : memref<1024x128xf32, #tpu.memory_space<vmem_shared>> -> memref<1024x128xf32, #tpu.memory_space<vmem_shared>>
    tpu.wait_indirect_dma semaphore(%arg12 : memref<!tpu.dma_semaphore, #tpu.memory_space<semaphore_mem>>) src(%dma_wait3A_107 : memref<1024x128xf32, #tpu.memory_space<vmem_shared>>) dst(%arg6 : memref<128x128xf32, #tpu.memory_space<vmem>>)
    %add3A_108 = arith.constant 384 : i32
    %add3A_109 = arith.addi %mul3A_2, %add3A_108 : i32
    %dma_start3A_110 = arith.constant 0 : i32
    %dma_start3A_111 = tpu.memref_slice %arg4[%add3A_109, %dma_start3A_110] : memref<32768x128xf32, #tpu.memory_space<hbm>> -> memref<128x128xf32, #tpu.memory_space<hbm>>
    %dma_start3A_112 = arith.constant 0 : i32
    %dma_start3A_113 = tpu.memref_slice %arg4[%add3A_109, %dma_start3A_112] : memref<32768x128xf32, #tpu.memory_space<hbm>> -> memref<128x128xf32, #tpu.memory_space<hbm>>
    tpu.enqueue_dma source(%arg6 : memref<128x128xf32, #tpu.memory_space<vmem>>) target(%dma_start3A_113 : memref<128x128xf32, #tpu.memory_space<hbm>>) target_semaphore(%arg11 : memref<!tpu.dma_semaphore, #tpu.memory_space<semaphore_mem>>)
    %dma_wait3A_114 = arith.constant 0 : i32
    %dma_wait3A_115 = tpu.memref_slice %arg4[%add3A_85, %dma_wait3A_114] : memref<32768x128xf32, #tpu.memory_space<hbm>> -> memref<128x128xf32, #tpu.memory_space<hbm>>
    %dma_wait3A_116 = arith.constant 0 : i32
    %dma_wait3A_117 = tpu.memref_slice %arg4[%add3A_85, %dma_wait3A_116] : memref<32768x128xf32, #tpu.memory_space<hbm>> -> memref<128x128xf32, #tpu.memory_space<hbm>>
    tpu.wait_dma2 semaphore(%arg11 : memref<!tpu.dma_semaphore, #tpu.memory_space<semaphore_mem>>) src(%arg8 : memref<128x128xf32, #tpu.memory_space<vmem>>) dst(%dma_wait3A_117 : memref<128x128xf32, #tpu.memory_space<hbm>>)
    %dma_start3A_118 = arith.constant 5 : i32
    %dma_start3A_119 = arith.constant 0 : i32
    %dma_start3A_120 = tpu.memref_slice %arg5[%dma_start3A_118, %dma_start3A_119] : memref<8x128xi32, #tpu.memory_space<vmem>> -> memref<1x128xi32, #tpu.memory_space<vmem>>
    %dma_start3A_121 = tpu.memref_squeeze %dma_start3A_120 : memref<1x128xi32, #tpu.memory_space<vmem>> -> memref<128xi32, #tpu.memory_space<vmem>>
    %dma_start3A_122 = arith.constant 0 : i32
    %dma_start3A_123 = arith.constant 0 : i32
    %dma_start3A_124 = tpu.memref_slice %arg9[%dma_start3A_122, %dma_start3A_123] : memref<1024x128xf32, #tpu.memory_space<vmem_shared>> -> memref<1024x128xf32, #tpu.memory_space<vmem_shared>>
    tpu.enqueue_indirect_dma source(%dma_start3A_124 : memref<1024x128xf32, #tpu.memory_space<vmem_shared>>) target(%arg8 : memref<128x128xf32, #tpu.memory_space<vmem>>) offsets(%dma_start3A_121 : memref<128xi32, #tpu.memory_space<vmem>>) semaphore(%arg12 : memref<!tpu.dma_semaphore, #tpu.memory_space<semaphore_mem>>)
    %dma_wait3A_125 = arith.constant 4 : i32
    %dma_wait3A_126 = arith.constant 0 : i32
    %dma_wait3A_127 = tpu.memref_slice %arg5[%dma_wait3A_125, %dma_wait3A_126] : memref<8x128xi32, #tpu.memory_space<vmem>> -> memref<1x128xi32, #tpu.memory_space<vmem>>
    %dma_wait3A_128 = tpu.memref_squeeze %dma_wait3A_127 : memref<1x128xi32, #tpu.memory_space<vmem>> -> memref<128xi32, #tpu.memory_space<vmem>>
    %dma_wait3A_129 = arith.constant 0 : i32
    %dma_wait3A_130 = arith.constant 0 : i32
    %dma_wait3A_131 = tpu.memref_slice %arg9[%dma_wait3A_129, %dma_wait3A_130] : memref<1024x128xf32, #tpu.memory_space<vmem_shared>> -> memref<1024x128xf32, #tpu.memory_space<vmem_shared>>
    tpu.wait_indirect_dma semaphore(%arg12 : memref<!tpu.dma_semaphore, #tpu.memory_space<semaphore_mem>>) src(%dma_wait3A_131 : memref<1024x128xf32, #tpu.memory_space<vmem_shared>>) dst(%arg7 : memref<128x128xf32, #tpu.memory_space<vmem>>)
    %add3A_132 = arith.constant 512 : i32
    %add3A_133 = arith.addi %mul3A_2, %add3A_132 : i32
    %dma_start3A_134 = arith.constant 0 : i32
    %dma_start3A_135 = tpu.memref_slice %arg4[%add3A_133, %dma_start3A_134] : memref<32768x128xf32, #tpu.memory_space<hbm>> -> memref<128x128xf32, #tpu.memory_space<hbm>>
    %dma_start3A_136 = arith.constant 0 : i32
    %dma_start3A_137 = tpu.memref_slice %arg4[%add3A_133, %dma_start3A_136] : memref<32768x128xf32, #tpu.memory_space<hbm>> -> memref<128x128xf32, #tpu.memory_space<hbm>>
    tpu.enqueue_dma source(%arg7 : memref<128x128xf32, #tpu.memory_space<vmem>>) target(%dma_start3A_137 : memref<128x128xf32, #tpu.memory_space<hbm>>) target_semaphore(%arg11 : memref<!tpu.dma_semaphore, #tpu.memory_space<semaphore_mem>>)
    %dma_wait3A_138 = arith.constant 0 : i32
    %dma_wait3A_139 = tpu.memref_slice %arg4[%add3A_109, %dma_wait3A_138] : memref<32768x128xf32, #tpu.memory_space<hbm>> -> memref<128x128xf32, #tpu.memory_space<hbm>>
    %dma_wait3A_140 = arith.constant 0 : i32
    %dma_wait3A_141 = tpu.memref_slice %arg4[%add3A_109, %dma_wait3A_140] : memref<32768x128xf32, #tpu.memory_space<hbm>> -> memref<128x128xf32, #tpu.memory_space<hbm>>
    tpu.wait_dma2 semaphore(%arg11 : memref<!tpu.dma_semaphore, #tpu.memory_space<semaphore_mem>>) src(%arg6 : memref<128x128xf32, #tpu.memory_space<vmem>>) dst(%dma_wait3A_141 : memref<128x128xf32, #tpu.memory_space<hbm>>)
    %dma_start3A_142 = arith.constant 6 : i32
    %dma_start3A_143 = arith.constant 0 : i32
    %dma_start3A_144 = tpu.memref_slice %arg5[%dma_start3A_142, %dma_start3A_143] : memref<8x128xi32, #tpu.memory_space<vmem>> -> memref<1x128xi32, #tpu.memory_space<vmem>>
    %dma_start3A_145 = tpu.memref_squeeze %dma_start3A_144 : memref<1x128xi32, #tpu.memory_space<vmem>> -> memref<128xi32, #tpu.memory_space<vmem>>
    %dma_start3A_146 = arith.constant 0 : i32
    %dma_start3A_147 = arith.constant 0 : i32
    %dma_start3A_148 = tpu.memref_slice %arg9[%dma_start3A_146, %dma_start3A_147] : memref<1024x128xf32, #tpu.memory_space<vmem_shared>> -> memref<1024x128xf32, #tpu.memory_space<vmem_shared>>
    tpu.enqueue_indirect_dma source(%dma_start3A_148 : memref<1024x128xf32, #tpu.memory_space<vmem_shared>>) target(%arg6 : memref<128x128xf32, #tpu.memory_space<vmem>>) offsets(%dma_start3A_145 : memref<128xi32, #tpu.memory_space<vmem>>) semaphore(%arg12 : memref<!tpu.dma_semaphore, #tpu.memory_space<semaphore_mem>>)
    %dma_wait3A_149 = arith.constant 5 : i32
    %dma_wait3A_150 = arith.constant 0 : i32
    %dma_wait3A_151 = tpu.memref_slice %arg5[%dma_wait3A_149, %dma_wait3A_150] : memref<8x128xi32, #tpu.memory_space<vmem>> -> memref<1x128xi32, #tpu.memory_space<vmem>>
    %dma_wait3A_152 = tpu.memref_squeeze %dma_wait3A_151 : memref<1x128xi32, #tpu.memory_space<vmem>> -> memref<128xi32, #tpu.memory_space<vmem>>
    %dma_wait3A_153 = arith.constant 0 : i32
    %dma_wait3A_154 = arith.constant 0 : i32
    %dma_wait3A_155 = tpu.memref_slice %arg9[%dma_wait3A_153, %dma_wait3A_154] : memref<1024x128xf32, #tpu.memory_space<vmem_shared>> -> memref<1024x128xf32, #tpu.memory_space<vmem_shared>>
    tpu.wait_indirect_dma semaphore(%arg12 : memref<!tpu.dma_semaphore, #tpu.memory_space<semaphore_mem>>) src(%dma_wait3A_155 : memref<1024x128xf32, #tpu.memory_space<vmem_shared>>) dst(%arg8 : memref<128x128xf32, #tpu.memory_space<vmem>>)
    %add3A_156 = arith.constant 640 : i32
    %add3A_157 = arith.addi %mul3A_2, %add3A_156 : i32
    %dma_start3A_158 = arith.constant 0 : i32
    %dma_start3A_159 = tpu.memref_slice %arg4[%add3A_157, %dma_start3A_158] : memref<32768x128xf32, #tpu.memory_space<hbm>> -> memref<128x128xf32, #tpu.memory_space<hbm>>
    %dma_start3A_160 = arith.constant 0 : i32
    %dma_start3A_161 = tpu.memref_slice %arg4[%add3A_157, %dma_start3A_160] : memref<32768x128xf32, #tpu.memory_space<hbm>> -> memref<128x128xf32, #tpu.memory_space<hbm>>
    tpu.enqueue_dma source(%arg8 : memref<128x128xf32, #tpu.memory_space<vmem>>) target(%dma_start3A_161 : memref<128x128xf32, #tpu.memory_space<hbm>>) target_semaphore(%arg11 : memref<!tpu.dma_semaphore, #tpu.memory_space<semaphore_mem>>)
    %dma_wait3A_162 = arith.constant 0 : i32
    %dma_wait3A_163 = tpu.memref_slice %arg4[%add3A_133, %dma_wait3A_162] : memref<32768x128xf32, #tpu.memory_space<hbm>> -> memref<128x128xf32, #tpu.memory_space<hbm>>
    %dma_wait3A_164 = arith.constant 0 : i32
    %dma_wait3A_165 = tpu.memref_slice %arg4[%add3A_133, %dma_wait3A_164] : memref<32768x128xf32, #tpu.memory_space<hbm>> -> memref<128x128xf32, #tpu.memory_space<hbm>>
    tpu.wait_dma2 semaphore(%arg11 : memref<!tpu.dma_semaphore, #tpu.memory_space<semaphore_mem>>) src(%arg7 : memref<128x128xf32, #tpu.memory_space<vmem>>) dst(%dma_wait3A_165 : memref<128x128xf32, #tpu.memory_space<hbm>>)
    %dma_start3A_166 = arith.constant 7 : i32
    %dma_start3A_167 = arith.constant 0 : i32
    %dma_start3A_168 = tpu.memref_slice %arg5[%dma_start3A_166, %dma_start3A_167] : memref<8x128xi32, #tpu.memory_space<vmem>> -> memref<1x128xi32, #tpu.memory_space<vmem>>
    %dma_start3A_169 = tpu.memref_squeeze %dma_start3A_168 : memref<1x128xi32, #tpu.memory_space<vmem>> -> memref<128xi32, #tpu.memory_space<vmem>>
    %dma_start3A_170 = arith.constant 0 : i32
    %dma_start3A_171 = arith.constant 0 : i32
    %dma_start3A_172 = tpu.memref_slice %arg9[%dma_start3A_170, %dma_start3A_171] : memref<1024x128xf32, #tpu.memory_space<vmem_shared>> -> memref<1024x128xf32, #tpu.memory_space<vmem_shared>>
    tpu.enqueue_indirect_dma source(%dma_start3A_172 : memref<1024x128xf32, #tpu.memory_space<vmem_shared>>) target(%arg7 : memref<128x128xf32, #tpu.memory_space<vmem>>) offsets(%dma_start3A_169 : memref<128xi32, #tpu.memory_space<vmem>>) semaphore(%arg12 : memref<!tpu.dma_semaphore, #tpu.memory_space<semaphore_mem>>)
    %dma_wait3A_173 = arith.constant 6 : i32
    %dma_wait3A_174 = arith.constant 0 : i32
    %dma_wait3A_175 = tpu.memref_slice %arg5[%dma_wait3A_173, %dma_wait3A_174] : memref<8x128xi32, #tpu.memory_space<vmem>> -> memref<1x128xi32, #tpu.memory_space<vmem>>
    %dma_wait3A_176 = tpu.memref_squeeze %dma_wait3A_175 : memref<1x128xi32, #tpu.memory_space<vmem>> -> memref<128xi32, #tpu.memory_space<vmem>>
    %dma_wait3A_177 = arith.constant 0 : i32
    %dma_wait3A_178 = arith.constant 0 : i32
    %dma_wait3A_179 = tpu.memref_slice %arg9[%dma_wait3A_177, %dma_wait3A_178] : memref<1024x128xf32, #tpu.memory_space<vmem_shared>> -> memref<1024x128xf32, #tpu.memory_space<vmem_shared>>
    tpu.wait_indirect_dma semaphore(%arg12 : memref<!tpu.dma_semaphore, #tpu.memory_space<semaphore_mem>>) src(%dma_wait3A_179 : memref<1024x128xf32, #tpu.memory_space<vmem_shared>>) dst(%arg6 : memref<128x128xf32, #tpu.memory_space<vmem>>)
    %add3A_180 = arith.constant 768 : i32
    %add3A_181 = arith.addi %mul3A_2, %add3A_180 : i32
    %dma_start3A_182 = arith.constant 0 : i32
    %dma_start3A_183 = tpu.memref_slice %arg4[%add3A_181, %dma_start3A_182] : memref<32768x128xf32, #tpu.memory_space<hbm>> -> memref<128x128xf32, #tpu.memory_space<hbm>>
    %dma_start3A_184 = arith.constant 0 : i32
    %dma_start3A_185 = tpu.memref_slice %arg4[%add3A_181, %dma_start3A_184] : memref<32768x128xf32, #tpu.memory_space<hbm>> -> memref<128x128xf32, #tpu.memory_space<hbm>>
    tpu.enqueue_dma source(%arg6 : memref<128x128xf32, #tpu.memory_space<vmem>>) target(%dma_start3A_185 : memref<128x128xf32, #tpu.memory_space<hbm>>) target_semaphore(%arg11 : memref<!tpu.dma_semaphore, #tpu.memory_space<semaphore_mem>>)
    %dma_wait3A_186 = arith.constant 7 : i32
    %dma_wait3A_187 = arith.constant 0 : i32
    %dma_wait3A_188 = tpu.memref_slice %arg5[%dma_wait3A_186, %dma_wait3A_187] : memref<8x128xi32, #tpu.memory_space<vmem>> -> memref<1x128xi32, #tpu.memory_space<vmem>>
    %dma_wait3A_189 = tpu.memref_squeeze %dma_wait3A_188 : memref<1x128xi32, #tpu.memory_space<vmem>> -> memref<128xi32, #tpu.memory_space<vmem>>
    %dma_wait3A_190 = arith.constant 0 : i32
    %dma_wait3A_191 = arith.constant 0 : i32
    %dma_wait3A_192 = tpu.memref_slice %arg9[%dma_wait3A_190, %dma_wait3A_191] : memref<1024x128xf32, #tpu.memory_space<vmem_shared>> -> memref<1024x128xf32, #tpu.memory_space<vmem_shared>>
    tpu.wait_indirect_dma semaphore(%arg12 : memref<!tpu.dma_semaphore, #tpu.memory_space<semaphore_mem>>) src(%dma_wait3A_192 : memref<1024x128xf32, #tpu.memory_space<vmem_shared>>) dst(%arg7 : memref<128x128xf32, #tpu.memory_space<vmem>>)
    %add3A_193 = arith.constant 896 : i32
    %add3A_194 = arith.addi %mul3A_2, %add3A_193 : i32
    %dma_start3A_195 = arith.constant 0 : i32
    %dma_start3A_196 = tpu.memref_slice %arg4[%add3A_194, %dma_start3A_195] : memref<32768x128xf32, #tpu.memory_space<hbm>> -> memref<128x128xf32, #tpu.memory_space<hbm>>
    %dma_start3A_197 = arith.constant 0 : i32
    %dma_start3A_198 = tpu.memref_slice %arg4[%add3A_194, %dma_start3A_197] : memref<32768x128xf32, #tpu.memory_space<hbm>> -> memref<128x128xf32, #tpu.memory_space<hbm>>
    tpu.enqueue_dma source(%arg7 : memref<128x128xf32, #tpu.memory_space<vmem>>) target(%dma_start3A_198 : memref<128x128xf32, #tpu.memory_space<hbm>>) target_semaphore(%arg11 : memref<!tpu.dma_semaphore, #tpu.memory_space<semaphore_mem>>)
    %dma_wait3A_199 = arith.constant 0 : i32
    %dma_wait3A_200 = tpu.memref_slice %arg4[%add3A_181, %dma_wait3A_199] : memref<32768x128xf32, #tpu.memory_space<hbm>> -> memref<128x128xf32, #tpu.memory_space<hbm>>
    %dma_wait3A_201 = arith.constant 0 : i32
    %dma_wait3A_202 = tpu.memref_slice %arg4[%add3A_181, %dma_wait3A_201] : memref<32768x128xf32, #tpu.memory_space<hbm>> -> memref<128x128xf32, #tpu.memory_space<hbm>>
    tpu.wait_dma2 semaphore(%arg11 : memref<!tpu.dma_semaphore, #tpu.memory_space<semaphore_mem>>) src(%arg6 : memref<128x128xf32, #tpu.memory_space<vmem>>) dst(%dma_wait3A_202 : memref<128x128xf32, #tpu.memory_space<hbm>>)
    %dma_wait3A_203 = arith.constant 0 : i32
    %dma_wait3A_204 = tpu.memref_slice %arg4[%add3A_194, %dma_wait3A_203] : memref<32768x128xf32, #tpu.memory_space<hbm>> -> memref<128x128xf32, #tpu.memory_space<hbm>>
    %dma_wait3A_205 = arith.constant 0 : i32
    %dma_wait3A_206 = tpu.memref_slice %arg4[%add3A_194, %dma_wait3A_205] : memref<32768x128xf32, #tpu.memory_space<hbm>> -> memref<128x128xf32, #tpu.memory_space<hbm>>
    tpu.wait_dma2 semaphore(%arg11 : memref<!tpu.dma_semaphore, #tpu.memory_space<semaphore_mem>>) src(%arg7 : memref<128x128xf32, #tpu.memory_space<vmem>>) dst(%dma_wait3A_206 : memref<128x128xf32, #tpu.memory_space<hbm>>)
    return
  }
}

module attributes {stable_mosaic.version = 14 : i64} {
  func.func @_pos_body(%arg0: memref<4x8192xi32, #tpu.memory_space<vmem>>, %arg1: memref<4x8192xi32, #tpu.memory_space<vmem>>) attributes {dimension_semantics = [], scalar_prefetch = 0 : i64, scratch_operands = 0 : i64, tpu.core_type = #tpu.core_type<tc>} {
    %get3A = arith.constant 0 : index
    %get3A_0 = arith.constant 0 : index
    %get3A_1 = vector.load %arg0[%get3A, %get3A_0] : memref<4x8192xi32, #tpu.memory_space<vmem>>, vector<4x8192xi32>
    %eq3A = arith.constant 1 : i32
    %eq3A_2 = vector.broadcast %eq3A : i32 to vector<4x8192xi32>
    %eq3A_3 = arith.cmpi eq, %get3A_1, %eq3A_2 : vector<4x8192xi32>
    %ge3A = arith.constant 17 : i32
    %ge3A_4 = vector.broadcast %ge3A : i32 to vector<4x8192xi32>
    %ge3A_5 = arith.cmpi sge, %get3A_1, %ge3A_4 : vector<4x8192xi32>
    %le3A = arith.constant 26 : i32
    %le3A_6 = vector.broadcast %le3A : i32 to vector<4x8192xi32>
    %le3A_7 = arith.cmpi sle, %get3A_1, %le3A_6 : vector<4x8192xi32>
    %and3A = arith.andi %ge3A_5, %le3A_7 : vector<4x8192xi1>
    %or3A = arith.ori %eq3A_3, %and3A : vector<4x8192xi1>
    %eq3A_8 = arith.constant 12 : i32
    %eq3A_9 = vector.broadcast %eq3A_8 : i32 to vector<4x8192xi32>
    %eq3A_10 = arith.cmpi eq, %get3A_1, %eq3A_9 : vector<4x8192xi32>
    %or3A_11 = arith.ori %or3A, %eq3A_10 : vector<4x8192xi1>
    %eq3A_12 = arith.constant 30 : i32
    %eq3A_13 = vector.broadcast %eq3A_12 : i32 to vector<4x8192xi32>
    %eq3A_14 = arith.cmpi eq, %get3A_1, %eq3A_13 : vector<4x8192xi32>
    %or3A_15 = arith.ori %or3A_11, %eq3A_14 : vector<4x8192xi1>
    %convert_element_type3A = arith.extui %or3A : vector<4x8192xi1> to vector<4x8192xi32>
    %iota3A = tpu.iota {dimensions = array<i32: 1>} : vector<4x8192xi32>
    %broadcast_in_dim3A = arith.constant 0 : i32
    %broadcast_in_dim3A_16 = vector.broadcast %broadcast_in_dim3A : i32 to vector<4x1xi32>
    %slice3A = vector.extract_strided_slice %convert_element_type3A {offsets = [0, 0], sizes = [4, 8191], strides = [1, 1]} : vector<4x8192xi32> to vector<4x8191xi32>
    %concatenate3A = tpu.concatenate %broadcast_in_dim3A_16, %slice3A in 1 : vector<4x1xi32>, vector<4x8191xi32> -> vector<4x8192xi32>
    %sub3A = arith.constant 1 : i32
    %sub3A_17 = vector.broadcast %sub3A : i32 to vector<4x8192xi32>
    %sub3A_18 = arith.subi %sub3A_17, %concatenate3A : vector<4x8192xi32>
    %mul3A = arith.muli %convert_element_type3A, %sub3A_18 : vector<4x8192xi32>
    %mul3A_19 = arith.muli %iota3A, %mul3A : vector<4x8192xi32>
    %broadcast_in_dim3A_20 = arith.constant 0 : i32
    %broadcast_in_dim3A_21 = vector.broadcast %broadcast_in_dim3A_20 : i32 to vector<4x1xi32>
    %slice3A_22 = vector.extract_strided_slice %mul3A_19 {offsets = [0, 0], sizes = [4, 8191], strides = [1, 1]} : vector<4x8192xi32> to vector<4x8191xi32>
    %concatenate3A_23 = tpu.concatenate %broadcast_in_dim3A_21, %slice3A_22 in 1 : vector<4x1xi32>, vector<4x8191xi32> -> vector<4x8192xi32>
    %max3A = arith.maxsi %mul3A_19, %concatenate3A_23 : vector<4x8192xi32>
    %broadcast_in_dim3A_24 = arith.constant 0 : i32
    %broadcast_in_dim3A_25 = vector.broadcast %broadcast_in_dim3A_24 : i32 to vector<4x2xi32>
    %slice3A_26 = vector.extract_strided_slice %max3A {offsets = [0, 0], sizes = [4, 8190], strides = [1, 1]} : vector<4x8192xi32> to vector<4x8190xi32>
    %concatenate3A_27 = tpu.concatenate %broadcast_in_dim3A_25, %slice3A_26 in 1 : vector<4x2xi32>, vector<4x8190xi32> -> vector<4x8192xi32>
    %max3A_28 = arith.maxsi %max3A, %concatenate3A_27 : vector<4x8192xi32>
    %broadcast_in_dim3A_29 = arith.constant 0 : i32
    %broadcast_in_dim3A_30 = vector.broadcast %broadcast_in_dim3A_29 : i32 to vector<4x4xi32>
    %slice3A_31 = vector.extract_strided_slice %max3A_28 {offsets = [0, 0], sizes = [4, 8188], strides = [1, 1]} : vector<4x8192xi32> to vector<4x8188xi32>
    %concatenate3A_32 = tpu.concatenate %broadcast_in_dim3A_30, %slice3A_31 in 1 : vector<4x4xi32>, vector<4x8188xi32> -> vector<4x8192xi32>
    %max3A_33 = arith.maxsi %max3A_28, %concatenate3A_32 : vector<4x8192xi32>
    %broadcast_in_dim3A_34 = arith.constant 0 : i32
    %broadcast_in_dim3A_35 = vector.broadcast %broadcast_in_dim3A_34 : i32 to vector<4x8xi32>
    %slice3A_36 = vector.extract_strided_slice %max3A_33 {offsets = [0, 0], sizes = [4, 8184], strides = [1, 1]} : vector<4x8192xi32> to vector<4x8184xi32>
    %concatenate3A_37 = tpu.concatenate %broadcast_in_dim3A_35, %slice3A_36 in 1 : vector<4x8xi32>, vector<4x8184xi32> -> vector<4x8192xi32>
    %max3A_38 = arith.maxsi %max3A_33, %concatenate3A_37 : vector<4x8192xi32>
    %broadcast_in_dim3A_39 = arith.constant 0 : i32
    %broadcast_in_dim3A_40 = vector.broadcast %broadcast_in_dim3A_39 : i32 to vector<4x16xi32>
    %slice3A_41 = vector.extract_strided_slice %max3A_38 {offsets = [0, 0], sizes = [4, 8176], strides = [1, 1]} : vector<4x8192xi32> to vector<4x8176xi32>
    %concatenate3A_42 = tpu.concatenate %broadcast_in_dim3A_40, %slice3A_41 in 1 : vector<4x16xi32>, vector<4x8176xi32> -> vector<4x8192xi32>
    %max3A_43 = arith.maxsi %max3A_38, %concatenate3A_42 : vector<4x8192xi32>
    %broadcast_in_dim3A_44 = arith.constant 0 : i32
    %broadcast_in_dim3A_45 = vector.broadcast %broadcast_in_dim3A_44 : i32 to vector<4x32xi32>
    %slice3A_46 = vector.extract_strided_slice %max3A_43 {offsets = [0, 0], sizes = [4, 8160], strides = [1, 1]} : vector<4x8192xi32> to vector<4x8160xi32>
    %concatenate3A_47 = tpu.concatenate %broadcast_in_dim3A_45, %slice3A_46 in 1 : vector<4x32xi32>, vector<4x8160xi32> -> vector<4x8192xi32>
    %max3A_48 = arith.maxsi %max3A_43, %concatenate3A_47 : vector<4x8192xi32>
    %broadcast_in_dim3A_49 = arith.constant 0 : i32
    %broadcast_in_dim3A_50 = vector.broadcast %broadcast_in_dim3A_49 : i32 to vector<4x64xi32>
    %slice3A_51 = vector.extract_strided_slice %max3A_48 {offsets = [0, 0], sizes = [4, 8128], strides = [1, 1]} : vector<4x8192xi32> to vector<4x8128xi32>
    %concatenate3A_52 = tpu.concatenate %broadcast_in_dim3A_50, %slice3A_51 in 1 : vector<4x64xi32>, vector<4x8128xi32> -> vector<4x8192xi32>
    %max3A_53 = arith.maxsi %max3A_48, %concatenate3A_52 : vector<4x8192xi32>
    %broadcast_in_dim3A_54 = arith.constant 0 : i32
    %broadcast_in_dim3A_55 = vector.broadcast %broadcast_in_dim3A_54 : i32 to vector<4x128xi32>
    %slice3A_56 = vector.extract_strided_slice %max3A_53 {offsets = [0, 0], sizes = [4, 8064], strides = [1, 1]} : vector<4x8192xi32> to vector<4x8064xi32>
    %concatenate3A_57 = tpu.concatenate %broadcast_in_dim3A_55, %slice3A_56 in 1 : vector<4x128xi32>, vector<4x8064xi32> -> vector<4x8192xi32>
    %max3A_58 = arith.maxsi %max3A_53, %concatenate3A_57 : vector<4x8192xi32>
    %broadcast_in_dim3A_59 = arith.constant 0 : i32
    %broadcast_in_dim3A_60 = vector.broadcast %broadcast_in_dim3A_59 : i32 to vector<4x256xi32>
    %slice3A_61 = vector.extract_strided_slice %max3A_58 {offsets = [0, 0], sizes = [4, 7936], strides = [1, 1]} : vector<4x8192xi32> to vector<4x7936xi32>
    %concatenate3A_62 = tpu.concatenate %broadcast_in_dim3A_60, %slice3A_61 in 1 : vector<4x256xi32>, vector<4x7936xi32> -> vector<4x8192xi32>
    %max3A_63 = arith.maxsi %max3A_58, %concatenate3A_62 : vector<4x8192xi32>
    %broadcast_in_dim3A_64 = arith.constant 0 : i32
    %broadcast_in_dim3A_65 = vector.broadcast %broadcast_in_dim3A_64 : i32 to vector<4x512xi32>
    %slice3A_66 = vector.extract_strided_slice %max3A_63 {offsets = [0, 0], sizes = [4, 7680], strides = [1, 1]} : vector<4x8192xi32> to vector<4x7680xi32>
    %concatenate3A_67 = tpu.concatenate %broadcast_in_dim3A_65, %slice3A_66 in 1 : vector<4x512xi32>, vector<4x7680xi32> -> vector<4x8192xi32>
    %max3A_68 = arith.maxsi %max3A_63, %concatenate3A_67 : vector<4x8192xi32>
    %broadcast_in_dim3A_69 = arith.constant 0 : i32
    %broadcast_in_dim3A_70 = vector.broadcast %broadcast_in_dim3A_69 : i32 to vector<4x1024xi32>
    %slice3A_71 = vector.extract_strided_slice %max3A_68 {offsets = [0, 0], sizes = [4, 7168], strides = [1, 1]} : vector<4x8192xi32> to vector<4x7168xi32>
    %concatenate3A_72 = tpu.concatenate %broadcast_in_dim3A_70, %slice3A_71 in 1 : vector<4x1024xi32>, vector<4x7168xi32> -> vector<4x8192xi32>
    %max3A_73 = arith.maxsi %max3A_68, %concatenate3A_72 : vector<4x8192xi32>
    %broadcast_in_dim3A_74 = arith.constant 0 : i32
    %broadcast_in_dim3A_75 = vector.broadcast %broadcast_in_dim3A_74 : i32 to vector<4x2048xi32>
    %slice3A_76 = vector.extract_strided_slice %max3A_73 {offsets = [0, 0], sizes = [4, 6144], strides = [1, 1]} : vector<4x8192xi32> to vector<4x6144xi32>
    %concatenate3A_77 = tpu.concatenate %broadcast_in_dim3A_75, %slice3A_76 in 1 : vector<4x2048xi32>, vector<4x6144xi32> -> vector<4x8192xi32>
    %max3A_78 = arith.maxsi %max3A_73, %concatenate3A_77 : vector<4x8192xi32>
    %broadcast_in_dim3A_79 = arith.constant 0 : i32
    %broadcast_in_dim3A_80 = vector.broadcast %broadcast_in_dim3A_79 : i32 to vector<4x4096xi32>
    %slice3A_81 = vector.extract_strided_slice %max3A_78 {offsets = [0, 0], sizes = [4, 4096], strides = [1, 1]} : vector<4x8192xi32> to vector<4x4096xi32>
    %concatenate3A_82 = tpu.concatenate %broadcast_in_dim3A_80, %slice3A_81 in 1 : vector<4x4096xi32>, vector<4x4096xi32> -> vector<4x8192xi32>
    %max3A_83 = arith.maxsi %max3A_78, %concatenate3A_82 : vector<4x8192xi32>
    %sub3A_84 = arith.subi %iota3A, %max3A_83 : vector<4x8192xi32>
    %add3A = arith.constant 1 : i32
    %add3A_85 = vector.broadcast %add3A : i32 to vector<4x8192xi32>
    %add3A_86 = arith.addi %sub3A_84, %add3A_85 : vector<4x8192xi32>
    %convert_element_type3A_87 = arith.extui %or3A_15 : vector<4x8192xi1> to vector<4x8192xi32>
    %mul3A_88 = arith.muli %add3A_86, %convert_element_type3A_87 : vector<4x8192xi32>
    %jit3A = arith.constant 0 : i32
    %jit3A_89 = arith.constant 1023 : i32
    %max3A_90 = vector.broadcast %jit3A : i32 to vector<4x8192xi32>
    %max3A_91 = arith.maxsi %max3A_90, %mul3A_88 : vector<4x8192xi32>
    %min3A = vector.broadcast %jit3A_89 : i32 to vector<4x8192xi32>
    %min3A_92 = arith.minsi %min3A, %max3A_91 : vector<4x8192xi32>
    %swap3A = arith.constant 0 : index
    %swap3A_93 = arith.constant 0 : index
    %swap3A_94 = vector.load %arg1[%swap3A, %swap3A_93] : memref<4x8192xi32, #tpu.memory_space<vmem>>, vector<4x8192xi32>
    tpu.vector_store %arg1[%swap3A, %swap3A_93], %min3A_92 {strides = array<i32>} : memref<4x8192xi32, #tpu.memory_space<vmem>>, vector<4x8192xi32>,
    return
  }
}

</mosaic_0001>

<sc_bundles>
// kernel: kernel.4.cloned.1.call-start
scs
__scs_entry_jumppad:
0x0: {  	(pc) =	sbr.rel $0x88, $3  }
0x1: {  	(tag) =	ssettag $0x0;
	lr =	simm.s32 $0x1  }
0x2: {  	[smem:$0x3F9F] =	sst lr;
	_ =	strace $0xD0000000  }
0x3: {  	_ = 	snop  }
0x4: {  	_ = 	snop  }
0x5: {  	_ = 	snop  }
0x6: {  	_ = 	snop  }
0x7: {  	_ = 	snop  }
__scs_overlays_trampoline_lowered:
0x8: {  	[smem:$0x3FAE] =	sst s0  }
0x9: {  	[smem:$0x3FAF] =	sst s1  }
0xa: {  	[smem:$0x3FB0] =	sst s2  }
0xb: {  	[smem:$0x3FB1] =	sst s3  }
0xc: {  	[smem:$0x3FB2] =	sst s4  }
0xd: {  	[smem:$0x3FB3] =	sst s5  }
0xe: {  	[smem:$0x3FB4] =	sst s6  }
0xf: {  	[smem:$0x3FB5] =	sst s7  }
0x10: {  	[smem:$0x3FB6] =	sst s8  }
0x11: {  	[smem:$0x3FB7] =	sst s9;
	s0 =	simm.s32 @!p0 $0x0  }
0x12: {  	s1 =	sld [smem:$0x3F9D];
	s0 =	simm.s32 @p0 $0x1  }
0x13: {  	[smem:$0x3FB8] =	sst s0;
	s0 =	simm.s32 @!p1 $0x0  }
0x14: {  	s2 =	sld [smem:$0x3F9C];
	s0 =	simm.s32 @p1 $0x1  }
0x15: {  	[smem:$0x3FB9] =	sst s0;
	s0 =	simm.s32 @!p2 $0x0  }
0x16: {  	s3 =	sld [smem:$0x3FDB];
	s0 =	simm.s32 @p2 $0x1  }
0x17: {  	s4 =	simm.s32 $0x1BF5;
	[smem:$0x3FBB] =	sst s0  }
0x18: {  	s0 =	sld [smem:$0x3F9E];
	_ =	swait.ge [sflag:s4], $0x0  }
0x19: {  	s7 =	sld [smem:$0x3F9F]  }
0x1a: {  	s8 =	sadd.s32 $0xFFFFE003, lr  }
0x1b: {  	s9 =	sadd.s32 $0xFFFFFEF7, lr;
	s5 =	simm.s32 $0xFFFFFFFF;
	p2 =	slt.u32 s8, $0xFFFFF086  }
0x1c: {  	p1 =	slt.u32 s9, $0xF7A;
	s5 =	simm.s32 @!p2 $0x0  }
0x1d: {  	s5 =	simm.s32 @p1 $0x1;
	p0 =	seq.s32 s7, s2  }
0x1e: {  	s7 =	smul.u32 @!p0 $0xF7A, s2;
	p2 =	seq.s32 @!p0 s5, $0x0  }
0x1f: {  	s9 =	smul.u32 $0xF7A, s1;
	s8 =	simm.s32 @!p0 $0x1BF5;
	p2 =	por !p2, p0  }
0x20: {  	[sflag:s8] =	ssyncset.s32 @!p0 $0xFFFFF086;
	s6 =	sadd.s32 @!p0 s3, s7;
	s7 =	simm.s32 @!p0 $0x108  }
0x21: {  	s3 =	sadd.s32 s3, s9;
	s6 =	sadd.s32 @!p0 $0x88, s6;
	s7 =	simm.s32 @p2 $0x1082  }
0x22: {  	[simem:s7], [sflag:s8] =	dma.local @!p0 [hbm:s6], $0xF7A  }
0x23: {  	s9 =	sor.u32 $0xD0000000, s2;
	s6 =	simm.s32 $0x108;
	_ =	swait.ge @!p0 [sflag:s8], $0x0  }
0x24: {  	s3 =	sadd.s32 $0x88, s3;
	s6 =	simm.s32 @!p1 $0x1082;
	[sflag:s4] =	ssyncset.s32 $0xFFFFF086  }
0x25: {  	[simem:s6], [sflag:s4] =	dma.local [hbm:s3], $0xF7A  }
0x26: {  	[smem:$0x3F9F] =	sst s1;
	(tag) =	ssettag s2;
	_ =	strace s9  }
0x27: {  	s1 =	sld [smem:$0x3FAF]  }
0x28: {  	s2 =	sld [smem:$0x3FB0]  }
0x29: {  	s4 =	sld [smem:$0x3FB2]  }
0x2a: {  	p0 =	seq.s32 s5, $0x0;
	s5 =	sld [smem:$0x3FB3]  }
0x2b: {  	s6 =	sld [smem:$0x3FB4]  }
0x2c: {  	s7 =	sld [smem:$0x3FB5]  }
0x2d: {  	s3 =	simm.s32 $0x108;
	s8 =	sld [smem:$0x3FB6]  }
0x2e: {  	s3 =	simm.s32 @!p0 $0x1082;
	s9 =	sld [smem:$0x3FB7]  }
0x2f: {  	lr =	sadd.s32 s0, s3;
	s0 =	sld [smem:$0x3FAE]  }
0x30: {  	s3 =	sld [smem:$0x3FB1]  }
0x31: {  	[smem:$0x3FBA] =	sst s10  }
0x32: {  	s10 =	sld [smem:$0x3FB8];
	_ =	sdelay $0x3  }
0x33: {  	p0 =	seq.s32 s10, $0x1;
	s10 =	sld [smem:$0x3FBA];
	_ =	sdelay $0x3  }
0x34: {  	[smem:$0x3FBA] =	sst s10  }
0x35: {  	s10 =	sld [smem:$0x3FB9];
	_ =	sdelay $0x3  }
0x36: {  	p1 =	seq.s32 s10, $0x1;
	s10 =	sld [smem:$0x3FBA];
	_ =	sdelay $0x3  }
0x37: {  	[smem:$0x3FBA] =	sst s10  }
0x38: {  	s10 =	sld [smem:$0x3FBB]  }
0x39: {  	_ = 	snop;
	(pc) =	sbr.ind lr, $3  }
0x3a: {  	_ = 	snop  }
0x3b: {  	_ = 	snop  }
0x3c: {  	p2 =	seq.s32 s10, $0x1;
	s10 =	sld [smem:$0x3FBA]  }
0x3d: {  	_ =	shalt  }
0x3e: {  	_ =	shalt  }
0x3f: {  	_ =	shalt  }
0x40: {  	_ =	shalt  }
0x41: {  	_ =	shalt  }
0x42: {  	_ =	shalt  }
0x43: {  	_ =	shalt  }
0x44: {  	_ =	shalt  }
0x45: {  	_ =	shalt  }
0x46: {  	_ =	shalt  }
0x47: {  	_ =	shalt  }
0x48: {  	_ =	shalt  }
0x49: {  	_ =	shalt  }
0x4a: {  	_ =	shalt  }
0x4b: {  	_ =	shalt  }
0x4c: {  	_ =	shalt  }
0x4d: {  	_ =	shalt  }
0x4e: {  	_ =	shalt  }
0x4f: {  	_ =	shalt  }
0x50: {  	_ =	shalt  }
0x51: {  	_ =	shalt  }
0x52: {  	_ =	shalt  }
0x53: {  	_ =	shalt  }
0x54: {  	_ =	shalt  }
0x55: {  	_ =	shalt  }
0x56: {  	_ =	shalt  }
0x57: {  	_ =	shalt  }
0x58: {  	_ =	shalt  }
0x59: {  	_ =	shalt  }
0x5a: {  	_ =	shalt  }
0x5b: {  	_ =	shalt  }
0x5c: {  	_ =	shalt  }
0x5d: {  	_ =	shalt  }
0x5e: {  	_ =	shalt  }
0x5f: {  	_ =	shalt  }
0x60: {  	_ =	shalt  }
0x61: {  	_ =	shalt  }
0x62: {  	_ =	shalt  }
0x63: {  	_ =	shalt  }
0x64: {  	_ =	shalt  }
0x65: {  	_ =	shalt  }
0x66: {  	_ =	shalt  }
0x67: {  	_ =	shalt  }
0x68: {  	_ =	shalt  }
0x69: {  	_ =	shalt  }
0x6a: {  	_ =	shalt  }
0x6b: {  	_ =	shalt  }
0x6c: {  	_ =	shalt  }
0x6d: {  	_ =	shalt  }
0x6e: {  	_ =	shalt  }
0x6f: {  	_ =	shalt  }
0x70: {  	_ =	shalt  }
0x71: {  	_ =	shalt  }
0x72: {  	_ =	shalt  }
0x73: {  	_ =	shalt  }
0x74: {  	_ =	shalt  }
0x75: {  	_ =	shalt  }
0x76: {  	_ =	shalt  }
0x77: {  	_ =	shalt  }
0x78: {  	_ =	shalt  }
0x79: {  	_ =	shalt  }
0x7a: {  	_ =	shalt  }
0x7b: {  	_ =	shalt  }
0x7c: {  	_ =	shalt  }
0x7d: {  	_ =	shalt  }
0x7e: {  	_ =	shalt  }
0x7f: {  	_ =	shalt  }
0x80: {  	_ =	shalt  }
0x81: {  	_ =	shalt  }
0x82: {  	_ =	shalt  }
0x83: {  	_ =	shalt  }
0x84: {  	_ =	shalt  }
0x85: {  	_ =	shalt  }
0x86: {  	_ =	shalt  }
0x87: {  	_ =	shalt  }
.Lfunc_end0:
.L_simem_size_0:
called_computation_lowered:
.L_overlay_start_0:
0x88: {  	s2 =	sld [smem:$0x3FD9]  }
0x89: {  	s3 =	sld [smem:$0x3FFE];
	_ =	sdelay $0x1  }
0x8a: {  	s1 =	srdreg.scid  }
0x8b: {  	s0 =	sand.u32 $0x1, s1  }
0x8c: {  	s17 =	sshll.u32 s0, $0xA;
	s2 =	sadd.s32 s3, s2  }
0x8d: {  	s2 =	sadd.s32 s2, s17  }
0x8e: {  	[smem:$0x3FC6] =	sst s2  }
0x8f: {  	_ = 	snop  }
0x90: {  	s2 =	sld [smem:$0x3FC8]  }
0x91: {  	s18 =	sld [smem:$0x3FD0];
	(tm) =	ssettm $0x1  }
0x92: {  	s4 =	sld [smem:$0x3FFB];
	_ =	sdelay $0x3  }
0x93: {  	_ =	strace s4  }
0x94: {  	s4 =	sld [smem:$0x3FFC];
	_ =	sdelay $0x3  }
0x95: {  	_ =	strace s4  }
0x96: {  	s4 =	sld [smem:$0x3FFD];
	_ =	sdelay $0x3  }
0x97: {  	_ =	strace s4  }
0x98: {  	_ =	strace $0x8FFFFFFF  }
0x99: {  	s19 =	sld [smem:$0x3FDB];
	_ =	sdelay $0x1  }
0x9a: {  	s5 =	simm.s32 $_scs_section_size  }
0x9b: {  	s6 =	simm.s32 $_size__tile_overlayer_lowered;
	s7 =	simm.s32 $_tile_overlayer_lowered  }
0x9c: {  	s22 =	simm.s32 $0x1BFF;
	s21 =	sshll.u32 s7, $0x1;
	s4 =	sadd.s32 s5, s19  }
0x9d: {  	s8 =	simm.s32 $0x0;
	s20 =	sshll.u32 s6, $0x1;
	s6 =	sadd.s32 s21, s4  }
0x9e: {  	[timem:s8], [sflag:s22] =	dma.local [hbm:s6], s20  }
0x9f: {  	_ =	swait.ge [sflag:s22], s20  }
0xa0: {  	s5 =	ssub.s32 $0x0, s20;
	[sflag:s22] =	ssyncset.done $0x0  }
0xa1: {  	[sflag:s22] =	ssyncadd.s32 s5;
	_ =	sdelay $0x1  }
0xa2: {  	s23 =	simm.s32 $0x1B8B  }
0xa3: {  	_ =	swait.ge [sflag:s23], $0x1  }
0xa4: {  	[sflag:s23] =	ssyncset.done $0x0  }
0xa5: {  	s25 =	simm.s32 $0x1B8E;
	s24 =	sld [smem:$0x3FFE];
	[sflag:s23] =	ssyncadd.s32 $0xFFFFFFFF  }
0xa6: {  	s26 =	simm.s32 $execute0_lowered;
	[smem:$0x3FD2] =	sst s25  }
0xa7: {  	s6 =	sshll.u32 s26, $0x1;
	_ =	strace $0x80000046;
	[dreg:$0x1] =	wrdreg $0xFFFFFFFF  }
0xa8: {  	s28 =	simm.s32 $_size_execute0_lowered;
	s4 =	sadd.s32 s4, s6;
	[dreg:$0x0] =	wrdreg $0x0  }
0xa9: {  	s6 =	sshll.u32 s28, $0x1;
	[dreg:$0x2] =	wrdreg s4  }
0xaa: {  	[dreg:$0x3] =	wrdreg s6  }
0xab: {  	[dreg:$0x4] =	wrdreg $0xC0  }
0xac: {  	_ =	task [dreg:s8], $0x5FFFF  }
0xad: {  	[dreg:$0x1] =	wrdreg $0xFFFFFFFF  }
0xae: {  	[dreg:$0x0] =	wrdreg $0x60  }
0xaf: {  	[dreg:$0x2] =	wrdreg s2  }
0xb0: {  	[dreg:$0x3] =	wrdreg s24  }
0xb1: {  	[dreg:$0x4] =	wrdreg s18  }
0xb2: {  	[dreg:$0x5] =	wrdreg $0xC4000  }
0xb3: {  	[dreg:$0x6] =	wrdreg $0x9  }
0xb4: {  	_ =	task.clear_ibuf [dreg:s8], $0x7FFFF;
	_ =	strace $0x90000046  }
0xb5: {  	s29 =	simm.s32 $0x9;
	_ =	strace $0x80000048  }
0xb6: {  	_ =	swait.ge [sflag:s29], $0x1  }
0xb7: {  	[sflag:s29] =	ssyncadd.s32 $0xFFFFFFFF  }
0xb8: {  	_ =	strace $0x90000048  }
0xb9: {  	_ =	sfence  }
0xba: {  	s30 =	sld [smem:$0x0];
	_ =	sdelay $0x2  }
0xbb: {  	s31 =	sshll.u32 s1, $0xD;
	s1 =	sshrl.u32 s1, $0x2  }
0xbc: {  	s3 =	sand.u32 $0x4000, s31;
	s1 =	sadd.s32 s1, s30  }
0xbd: {  	s0 =	sor.u32 s3, s0;
	s1 =	sshll.u32 s1, $0x11  }
0xbe: {  	s0 =	sor.u32 s1, s0  }
0xbf: {  	s0 =	sadd.s32 $0x8F2B, s0  }
0xc0: {  	[sflag:s0] =	ssyncadd.remote.s32 $0x1  }
0xc1: {  	_ =	sfence.sel $0xFFFF  }
0xc2: {  	[dreg:$0x0] =	wrdreg $0xFFFFFFFF;
	(pc) =	sbr.abs _section_cstart, $3  }
0xc3: {  	[dreg:$0x1] =	wrdreg $0xFFFFFFFF  }
0xc4: {  	_ =	task.clear_ibuf [dreg:s8], $0x2FFFF;
	_ =	strace $0x9FFFFFFF  }
0xc5: {  	(tm) =	ssettm $0x7FFFFFFF  }
tec
execute0_lowered:
.L_overlay_start_1:
0x0: {  	(tag) =	ssettag $0x1  }
0x1: {  	s0 =	rddreg [dreg:$0x0]  }
0x2: {  	s1 =	srdreg.scid;
	s4 =	rddreg [dreg:$0x1]  }
0x3: {  	s5 =	stileid.u32;
	s13 =	rddreg [dreg:$0x2];
	s29 =	sand.u32 $0x1, s1  }
0x4: {  	s2 =	rddreg [dreg:$0x3];
	s31 =	sshll.u32 s5, $0xB;
	s3 =	sshll.u32 s29, $0xA  }
0x5: {  	s1 =	rddreg [dreg:$0x4];
	p0 =	sne.s32 s5, $0x0;
	s14 =	sor.u32 s3, s31  }
0x6: {  	s5 =	sshrl.u32 @!p0 s2, $0x3;
	s3 =	simm.s32 $0x0;
	s6 =	sshrl.u32 s14, $0x3  }
0x7: {  	s7 =	simm.s32 @!p0 $0x4;
	[smem:$0x7FF] =	sst s3;
	s4 =	sadd.s32 s6, s4  }
0x8: {  	_ =	strace $0x80000047;
	s6 =	simm.s32 @!p0 $0x1C04;
	s4 =	sadd.s32 $0x600, s4  }
0x9: {  	[tilespmem:s3], [sflag:$0x1] =	stream.linear.gather [hbm4b:s4+s3], $0x400, $0x38;
	[tilespmem:$0xE400] =	vst v63  }
0xa: {  	[spmem:s5], [sflag:s6] =	dma.local @!p0 [hbm:s0], $0x4000  }
0xb: {  	_ =	swait.ge @!p0 [sflag:s7], $0x4000  }
0xc: {  	[sflag:s7] =	ssyncset.done @!p0 $0x0  }
0xd: {  	[sflag:s7] =	ssyncadd.s32 @!p0 $0xFFFFC000  }
0xe: {  	s8 =	simm.s32 $0x1;
	[bflag:$0x0] =	sbarrier.arrive $0xFFFF  }
0xf: {  	_ =	swait.ge [sflag:s8], $0x400  }
0x10: {  	[sflag:s8] =	ssyncset.done $0x0  }
0x11: {  	s9 =	simm.s32 $0x80;
	s10 =	simm.s32 $0x400;
	[sflag:s8] =	ssyncadd.s32 $0xFFFFFC00  }
0x12: {  	[tilespmem:s10], [sflag:$0x3] =	stream.indirect.gather [spmem:s2], $0x80, s3, s9, $0xb8;
	[tilespmem:$0xE400] =	vst v63  }
0x13: {  	s11 =	simm.s32 $0x4400;
	s12 =	simm.s32 $0x3  }
0x14: {  	[tilespmem:s11], [sflag:$0x3] =	stream.indirect.gather [spmem:s2], $0x80, s9, s9, $0xb8;
	[tilespmem:$0xE400] =	vst v63  }
0x15: {  	_ =	swait.ge [sflag:s12], $0x4000  }
0x16: {  	s14 =	sshll.u32 s14, $0x4;
	[sflag:s12] =	ssyncset.done $0x0  }
0x17: {  	s13 =	sadd.s32 s13, s14;
	[sflag:s12] =	ssyncadd.s32 $0xFFFFC000  }
0x18: {  	[hbm4b:s13+s3] =	stream.linear.scatter [tilespmem:s10], [sflag:$0x2], $0x4000, $0x38;
	[tilespmem:$0xE400] =	vst v63  }
0x19: {  	s15 =	simm.s32 $0x8400;
	s14 =	simm.s32 $0x100  }
0x1a: {  	[tilespmem:s15], [sflag:$0x3] =	stream.indirect.gather [spmem:s2], $0x80, s14, s9, $0xb8;
	[tilespmem:$0xE400] =	vst v63  }
0x1b: {  	_ =	swait.ge [sflag:s12], $0x4000  }
0x1c: {  	[sflag:s12] =	ssyncset.done $0x0  }
0x1d: {  	s16 =	simm.s32 $0x2;
	s17 =	sadd.s32 $0x800, s13;
	[sflag:s12] =	ssyncadd.s32 $0xFFFFC000  }
0x1e: {  	[hbm4b:s17+s3] =	stream.linear.scatter [tilespmem:s11], [sflag:$0x2], $0x4000, $0x38;
	[tilespmem:$0xE400] =	vst v63  }
0x1f: {  	_ =	swait.ge [sflag:s16], $0x4000  }
0x20: {  	[sflag:s16] =	ssyncset.done $0x0  }
0x21: {  	s18 =	simm.s32 $0x180;
	[sflag:s16] =	ssyncadd.s32 $0xFFFFC000  }
0x22: {  	[tilespmem:s10], [sflag:$0x3] =	stream.indirect.gather [spmem:s2], $0x80, s18, s9, $0xb8;
	[tilespmem:$0xE400] =	vst v63  }
0x23: {  	_ =	swait.ge [sflag:s12], $0x4000  }
0x24: {  	[sflag:s12] =	ssyncset.done $0x0  }
0x25: {  	s19 =	sadd.s32 $0x1000, s13;
	[sflag:s12] =	ssyncadd.s32 $0xFFFFC000  }
0x26: {  	[hbm4b:s19+s3] =	stream.linear.scatter [tilespmem:s15], [sflag:$0x2], $0x4000, $0x38;
	[tilespmem:$0xE400] =	vst v63  }
0x27: {  	_ =	swait.ge [sflag:s16], $0x4000  }
0x28: {  	[sflag:s16] =	ssyncset.done $0x0  }
0x29: {  	s20 =	simm.s32 $0x200;
	[sflag:s16] =	ssyncadd.s32 $0xFFFFC000  }
0x2a: {  	[tilespmem:s11], [sflag:$0x3] =	stream.indirect.gather [spmem:s2], $0x80, s20, s9, $0xb8;
	[tilespmem:$0xE400] =	vst v63  }
0x2b: {  	_ =	swait.ge [sflag:s12], $0x4000  }
0x2c: {  	[sflag:s12] =	ssyncset.done $0x0  }
0x2d: {  	s21 =	sadd.s32 $0x1800, s13;
	[sflag:s12] =	ssyncadd.s32 $0xFFFFC000  }
0x2e: {  	[hbm4b:s21+s3] =	stream.linear.scatter [tilespmem:s10], [sflag:$0x2], $0x4000, $0x38;
	[tilespmem:$0xE400] =	vst v63  }
0x2f: {  	_ =	swait.ge [sflag:s16], $0x4000  }
0x30: {  	[sflag:s16] =	ssyncset.done $0x0  }
0x31: {  	s22 =	simm.s32 $0x280;
	[sflag:s16] =	ssyncadd.s32 $0xFFFFC000  }
0x32: {  	[tilespmem:s15], [sflag:$0x3] =	stream.indirect.gather [spmem:s2], $0x80, s22, s9, $0xb8;
	[tilespmem:$0xE400] =	vst v63  }
0x33: {  	_ =	swait.ge [sflag:s12], $0x4000  }
0x34: {  	[sflag:s12] =	ssyncset.done $0x0  }
0x35: {  	s23 =	sadd.s32 $0x2000, s13;
	[sflag:s12] =	ssyncadd.s32 $0xFFFFC000  }
0x36: {  	[hbm4b:s23+s3] =	stream.linear.scatter [tilespmem:s11], [sflag:$0x2], $0x4000, $0x38;
	[tilespmem:$0xE400] =	vst v63  }
0x37: {  	_ =	swait.ge [sflag:s16], $0x4000  }
0x38: {  	[sflag:s16] =	ssyncset.done $0x0  }
0x39: {  	s24 =	simm.s32 $0x300;
	[sflag:s16] =	ssyncadd.s32 $0xFFFFC000  }
0x3a: {  	[tilespmem:s10], [sflag:$0x3] =	stream.indirect.gather [spmem:s2], $0x80, s24, s9, $0xb8;
	[tilespmem:$0xE400] =	vst v63  }
0x3b: {  	_ =	swait.ge [sflag:s12], $0x4000  }
0x3c: {  	[sflag:s12] =	ssyncset.done $0x0  }
0x3d: {  	s25 =	sadd.s32 $0x2800, s13;
	[sflag:s12] =	ssyncadd.s32 $0xFFFFC000  }
0x3e: {  	[hbm4b:s25+s3] =	stream.linear.scatter [tilespmem:s15], [sflag:$0x2], $0x4000, $0x38;
	[tilespmem:$0xE400] =	vst v63  }
0x3f: {  	_ =	swait.ge [sflag:s16], $0x4000  }
0x40: {  	[sflag:s16] =	ssyncset.done $0x0  }
0x41: {  	s26 =	simm.s32 $0x380;
	[sflag:s16] =	ssyncadd.s32 $0xFFFFC000  }
0x42: {  	[tilespmem:s11], [sflag:$0x3] =	stream.indirect.gather [spmem:s2], $0x80, s26, s9, $0xb8;
	[tilespmem:$0xE400] =	vst v63  }
0x43: {  	s30 =	ssub.s32 $0x2, s29;
	_ =	swait.ge [sflag:s12], $0x4000  }
0x44: {  	s31 =	sshrl.u32 s30, $0x1;
	[sflag:s12] =	ssyncset.done $0x0  }
0x45: {  	s30 =	ssub.s32 s30, s31;
	s28 =	sadd.s32 $0x3000, s13;
	[sflag:s12] =	ssyncadd.s32 $0xFFFFC000  }
0x46: {  	[hbm4b:s28+s3] =	stream.linear.scatter [tilespmem:s10], [sflag:$0x2], $0x4000, $0x38;
	[tilespmem:$0xE400] =	vst v63  }
0x47: {  	s30 =	smax.u32 s30, $0x1;
	_ =	swait.ge [sflag:s12], $0x4000  }
0x48: {  	s30 =	sadd.s32 $0xFFFFFFFF, s30;
	[sflag:s12] =	ssyncset.done $0x0  }
0x49: {  	s29 =	sadd.s32 $0x3800, s13;
	p1 =	sne.s32 s30, $0x0;
	[sflag:s12] =	ssyncadd.s32 $0xFFFFC000  }
0x4a: {  	[hbm4b:s29+s3] =	stream.linear.scatter [tilespmem:s11], [sflag:$0x2], $0x4000, $0x38;
	[tilespmem:$0xE400] =	vst v63  }
.Ltmp0:
0x4b: {  	_ =	swait.ge [sflag:s16], $0x4000;
	(pc) =	sbr.rel @!p1 .LBB2_2-.Ltmp0, $4  }
0x4c: {  	[sflag:s16] =	ssyncset.done $0x0  }
0x4d: {  	[sflag:s16] =	ssyncadd.s32 $0xFFFFC000  }
0x4e: {  	_ =	swait.ge [sflag:s16], $0x4000  }
0x4f: {  	[sflag:s16] =	ssyncset.done $0x0  }
.LBB2_1:
0x50: {  	[sflag:s16] =	ssyncadd.s32 $0xFFFFC000  }
0x51: {  	[tilespmem:s3], [sflag:$0x1] =	stream.linear.gather [hbm4b:s4+s3], $0x400, $0x38;
	[tilespmem:$0xE400] =	vst v63  }
0x52: {  	[spmem:s5], [sflag:s6] =	dma.local @!p0 [hbm:s0], $0x4000  }
0x53: {  	s30 =	sadd.s32 $0xFFFFFFFF, s30;
	_ =	swait.ge @!p0 [sflag:s7], $0x4000  }
0x54: {  	p1 =	sne.s32 s30, $0x0;
	[sflag:s7] =	ssyncset.done @!p0 $0x0  }
0x55: {  	[sflag:s7] =	ssyncadd.s32 @!p0 $0xFFFFC000  }
0x56: {  	[bflag:$0x0] =	sbarrier.arrive $0xFFFF  }
0x57: {  	_ =	swait.ge [sflag:s8], $0x400  }
0x58: {  	[sflag:s8] =	ssyncset.done $0x0  }
0x59: {  	[sflag:s8] =	ssyncadd.s32 $0xFFFFFC00  }
0x5a: {  	[tilespmem:s10], [sflag:$0x3] =	stream.indirect.gather [spmem:s2], $0x80, s3, s9, $0xb8;
	[tilespmem:$0xE400] =	vst v63  }
0x5b: {  	_ = 	snop  }
0x5c: {  	[tilespmem:s11], [sflag:$0x3] =	stream.indirect.gather [spmem:s2], $0x80, s9, s9, $0xb8;
	[tilespmem:$0xE400] =	vst v63  }
0x5d: {  	_ =	swait.ge [sflag:s12], $0x4000  }
0x5e: {  	[sflag:s12] =	ssyncset.done $0x0  }
0x5f: {  	[sflag:s12] =	ssyncadd.s32 $0xFFFFC000  }
0x60: {  	[hbm4b:s13+s3] =	stream.linear.scatter [tilespmem:s10], [sflag:$0x2], $0x4000, $0x38;
	[tilespmem:$0xE400] =	vst v63  }
0x61: {  	_ = 	snop  }
0x62: {  	[tilespmem:s15], [sflag:$0x3] =	stream.indirect.gather [spmem:s2], $0x80, s14, s9, $0xb8;
	[tilespmem:$0xE400] =	vst v63  }
0x63: {  	_ =	swait.ge [sflag:s12], $0x4000  }
0x64: {  	[sflag:s12] =	ssyncset.done $0x0  }
0x65: {  	[sflag:s12] =	ssyncadd.s32 $0xFFFFC000  }
0x66: {  	[hbm4b:s17+s3] =	stream.linear.scatter [tilespmem:s11], [sflag:$0x2], $0x4000, $0x38;
	[tilespmem:$0xE400] =	vst v63  }
0x67: {  	_ =	swait.ge [sflag:s16], $0x4000  }
0x68: {  	[sflag:s16] =	ssyncset.done $0x0  }
0x69: {  	[sflag:s16] =	ssyncadd.s32 $0xFFFFC000  }
0x6a: {  	[tilespmem:s10], [sflag:$0x3] =	stream.indirect.gather [spmem:s2], $0x80, s18, s9, $0xb8;
	[tilespmem:$0xE400] =	vst v63  }
0x6b: {  	_ =	swait.ge [sflag:s12], $0x4000  }
0x6c: {  	[sflag:s12] =	ssyncset.done $0x0  }
0x6d: {  	[sflag:s12] =	ssyncadd.s32 $0xFFFFC000  }
0x6e: {  	[hbm4b:s19+s3] =	stream.linear.scatter [tilespmem:s15], [sflag:$0x2], $0x4000, $0x38;
	[tilespmem:$0xE400] =	vst v63  }
0x6f: {  	_ =	swait.ge [sflag:s16], $0x4000  }
0x70: {  	[sflag:s16] =	ssyncset.done $0x0  }
0x71: {  	[sflag:s16] =	ssyncadd.s32 $0xFFFFC000  }
0x72: {  	[tilespmem:s11], [sflag:$0x3] =	stream.indirect.gather [spmem:s2], $0x80, s20, s9, $0xb8;
	[tilespmem:$0xE400] =	vst v63  }
0x73: {  	_ =	swait.ge [sflag:s12], $0x4000  }
0x74: {  	[sflag:s12] =	ssyncset.done $0x0  }
0x75: {  	[sflag:s12] =	ssyncadd.s32 $0xFFFFC000  }
0x76: {  	[hbm4b:s21+s3] =	stream.linear.scatter [tilespmem:s10], [sflag:$0x2], $0x4000, $0x38;
	[tilespmem:$0xE400] =	vst v63  }
0x77: {  	_ =	swait.ge [sflag:s16], $0x4000  }
0x78: {  	[sflag:s16] =	ssyncset.done $0x0  }
0x79: {  	[sflag:s16] =	ssyncadd.s32 $0xFFFFC000  }
0x7a: {  	[tilespmem:s15], [sflag:$0x3] =	stream.indirect.gather [spmem:s2], $0x80, s22, s9, $0xb8;
	[tilespmem:$0xE400] =	vst v63  }
0x7b: {  	_ =	swait.ge [sflag:s12], $0x4000  }
0x7c: {  	[sflag:s12] =	ssyncset.done $0x0  }
0x7d: {  	[sflag:s12] =	ssyncadd.s32 $0xFFFFC000  }
0x7e: {  	[hbm4b:s23+s3] =	stream.linear.scatter [tilespmem:s11], [sflag:$0x2], $0x4000, $0x38;
	[tilespmem:$0xE400] =	vst v63  }
0x7f: {  	_ =	swait.ge [sflag:s16], $0x4000  }
0x80: {  	[sflag:s16] =	ssyncset.done $0x0  }
0x81: {  	[sflag:s16] =	ssyncadd.s32 $0xFFFFC000  }
0x82: {  	[tilespmem:s10], [sflag:$0x3] =	stream.indirect.gather [spmem:s2], $0x80, s24, s9, $0xb8;
	[tilespmem:$0xE400] =	vst v63  }
0x83: {  	_ =	swait.ge [sflag:s12], $0x4000  }
0x84: {  	[sflag:s12] =	ssyncset.done $0x0  }
0x85: {  	[sflag:s12] =	ssyncadd.s32 $0xFFFFC000  }
0x86: {  	[hbm4b:s25+s3] =	stream.linear.scatter [tilespmem:s15], [sflag:$0x2], $0x4000, $0x38;
	[tilespmem:$0xE400] =	vst v63  }
0x87: {  	_ =	swait.ge [sflag:s16], $0x4000  }
0x88: {  	[sflag:s16] =	ssyncset.done $0x0  }
0x89: {  	[sflag:s16] =	ssyncadd.s32 $0xFFFFC000  }
0x8a: {  	[tilespmem:s11], [sflag:$0x3] =	stream.indirect.gather [spmem:s2], $0x80, s26, s9, $0xb8;
	[tilespmem:$0xE400] =	vst v63  }
0x8b: {  	_ =	swait.ge [sflag:s12], $0x4000  }
0x8c: {  	[sflag:s12] =	ssyncset.done $0x0  }
0x8d: {  	[sflag:s12] =	ssyncadd.s32 $0xFFFFC000  }
0x8e: {  	[hbm4b:s28+s3] =	stream.linear.scatter [tilespmem:s10], [sflag:$0x2], $0x4000, $0x38;
	[tilespmem:$0xE400] =	vst v63  }
0x8f: {  	_ =	swait.ge [sflag:s12], $0x4000  }
0x90: {  	[sflag:s12] =	ssyncset.done $0x0  }
0x91: {  	[sflag:s12] =	ssyncadd.s32 $0xFFFFC000  }
0x92: {  	[hbm4b:s29+s3] =	stream.linear.scatter [tilespmem:s11], [sflag:$0x2], $0x4000, $0x38;
	[tilespmem:$0xE400] =	vst v63  }
.Ltmp1:
0x93: {  	_ =	swait.ge [sflag:s16], $0x4000;
	(pc) =	sbr.rel @p1 .LBB2_1-.Ltmp1, $4  }
0x94: {  	[sflag:s16] =	ssyncset.done $0x0  }
0x95: {  	[sflag:s16] =	ssyncadd.s32 $0xFFFFC000  }
0x96: {  	_ =	swait.ge [sflag:s16], $0x4000  }
0x97: {  	[sflag:s16] =	ssyncset.done $0x0  }
.LBB2_2:
0x98: {  	[sflag:s16] =	ssyncadd.s32 $0xFFFFC000  }
0x99: {  	_ =	sfence.sel $0x180000  }
0x9a: {  	[bflag:$0x0] =	sbarrier.arrive $0xFFFF  }
0x9b: {  	_ =	strace $0x90000047  }
0x9c: {  	s0 =	sadd.s32 @!p0 $0x100000, s1;
	[bflag:$0x2] =	sbarrier.arrive $0xFFFF  }
0x9d: {  	[sflag:s0] =	ssyncadd.tile.s32 @!p0 $0x1;
	_ =	shalt  }
.Lfunc_end2:
_tile_overlayer_lowered:
.L_overlay_start_2:
0x9e: {  	(tag) =	ssettag $0x2  }
0x9f: {  	s0 =	rddreg [dreg:$0x0];
	s2 =	stileid.u32  }
0xa0: {  	s1 =	rddreg [dreg:$0x1];
	p0 =	sne.s32 s2, $0x0  }
0xa1: {  	s3 =	rddreg [dreg:$0x2];
	[bflag:$0x3] =	sbarrier.arrive $0xFFFF;
	s2 =	simm.s32 @!p0 $0x1C04  }
0xa2: {  	[timem:s3], [sflag:s2] =	dma.local @!p0 [hbm:s0], s1  }
0xa3: {  	s0 =	simm.s32 @!p0 $0x4  }
0xa4: {  	_ =	swait.ge @!p0 [sflag:s0], s1  }
0xa5: {  	s1 =	ssub.s32 @!p0 $0x0, s1;
	[sflag:s0] =	ssyncset.done @!p0 $0x0  }
0xa6: {  	[sflag:s0] =	ssyncadd.s32 @!p0 s1  }
0xa7: {  	[bflag:$0x3] =	sbarrier.arrive $0xFFFF  }
0xa8: {  	_ =	shalt  }

</sc_bundles>
